<compile_context>
chip_gen: v7x
topology: tpu7x:2x2x1
jax: 0.10.2.dev20260603
libtpu: 0.0.44.dev20260713+nightly
codegen_flags: <defaults>
</compile_context>

<pallas_src>
import jax
import jax.numpy as jnp
from jax.experimental import pallas as pl


def _copy_block(x_ref, o_ref):
    o_ref[...] = x_ref[...]


def kernel(rays):
    n, d = rays.shape
    flat = rays.reshape(-1, 128)
    rows = flat.shape[0]
    block_rows = 8192
    grid = rows // block_rows
    out = pl.pallas_call(
        _copy_block,
        grid=(grid,),
        in_specs=[pl.BlockSpec((block_rows, 128), lambda i: (i, 0))],
        out_specs=pl.BlockSpec((block_rows, 128), lambda i: (i, 0)),
        out_shape=jax.ShapeDtypeStruct(flat.shape, flat.dtype),
    )(flat)
    return out.reshape(n, d)

# --- scband reference (transcript-rebuilt; emitter-appended) ---
"""Pipeline reference for scband-calibrate-embedding-88536455839959 (READ-ONLY COPY).

The authoritative reference and input builder live on the scoring server;
editing this copy changes nothing except your own understanding.
"""

import jax, jax.numpy as jnp
import numpy as np

N_RAYS = 4194304
RAY_DIM = 8

def setup_inputs(seed: int = 0) -> dict:
    key = jax.random.key(seed)
    rays = jax.random.normal(key, (N_RAYS, RAY_DIM), dtype=jnp.float32)
    return {"rays": rays}

def reference(rays):
    # Faithful translation of CalibrateEmbedding.forward with cfg={} (all defaults):
    # use_pose=False, use_time=False, use_ndc=False.
    rays_o = rays[..., 0:3]
    rays_d = rays[..., 3:6]
    # camera id decoding (computed in the torch module regardless of flags)
    if rays.shape[-1] > 7:
        camera_ids = jnp.round(rays[..., -2]).astype(jnp.int32)
    else:
        camera_ids = jnp.round(rays[..., -1]).astype(jnp.int32)
    # use_pose == False branch: updated_rays = rays[..., :6]
    updated_rays = rays[..., :6]
    # use_time == False branch: rays = cat([updated_rays, rays[..., 6:]], -1)
    out = jnp.concatenate([updated_rays, rays[..., 6:]], axis=-1)
    return out

if __name__ == "__main__":
    import jax
    _d = setup_inputs()
    print(jax.jit(kernel)(*tuple(_d.values())))

</pallas_src>

<mosaic_0001>
module attributes {stable_mosaic.version = 14 : i64} {
  func.func @_copy_block(%arg0: i32, %arg1: memref<8192x128xf32, #tpu.memory_space<vmem>>, %arg2: memref<8192x128xf32, #tpu.memory_space<vmem>>) attributes {dimension_semantics = [#tpu.dimension_semantics<arbitrary>], iteration_bounds = array<i64: 32>, scalar_prefetch = 0 : i64, scratch_operands = 0 : i64, tpu.core_type = #tpu.core_type<tc>, window_params = [{transform_indices = @transform_0, window_bounds = array<i64: 8192, 128>}, {transform_indices = @transform_1, window_bounds = array<i64: 8192, 128>}]} {
    %get3A = arith.constant 0 : index
    %get3A_0 = arith.constant 0 : index
    %get3A_1 = vector.load %arg1[%get3A, %get3A_0] : memref<8192x128xf32, #tpu.memory_space<vmem>>, vector<8192x128xf32>
    %swap3A = arith.constant 0 : index
    %swap3A_2 = arith.constant 0 : index
    %swap3A_3 = vector.load %arg2[%swap3A, %swap3A_2] : memref<8192x128xf32, #tpu.memory_space<vmem>>, vector<8192x128xf32>
    tpu.vector_store %arg2[%swap3A, %swap3A_2], %get3A_1 {strides = array<i32>} : memref<8192x128xf32, #tpu.memory_space<vmem>>, vector<8192x128xf32>,
    return
  }
  func.func @transform_0(%arg0: i32) -> (i32, i32) {
    %c0_i32 = arith.constant 0 : i32
    %c0_i32_0 = arith.constant 0 : i32
    return %arg0, %c0_i32 : i32, i32
  }
  func.func @transform_1(%arg0: i32) -> (i32, i32) {
    %c0_i32 = arith.constant 0 : i32
    %c0_i32_0 = arith.constant 0 : i32
    return %arg0, %c0_i32 : i32, i32
  }
}

</mosaic_0001>

<sc_bundles>
// kernel: sparse-core-data-format-call.cloned.1.call-start
scs
called_computation_lowered:
.L_overlay_start_0:
0x0: {  	s2 =	sld [smem:$0x3FD9]  }
0x1: {  	s3 =	sld [smem:$0x3FFE];
	_ =	sdelay $0x1  }
0x2: {  	s1 =	srdreg.scid  }
0x3: {  	s0 =	sand.u32 $0x1, s1  }
0x4: {  	s18 =	sshll.u32 s0, $0xA;
	s2 =	sadd.s32 s3, s2  }
0x5: {  	s2 =	sadd.s32 s2, s18  }
0x6: {  	[smem:$0x3FC7] =	sst s2  }
0x7: {  	_ = 	snop  }
0x8: {  	s2 =	sld [smem:$0x3FD0];
	(tm) =	ssettm $0x1  }
0x9: {  	s19 =	sld [smem:$0x3FFB];
	_ =	sdelay $0x3  }
0xa: {  	_ =	strace s19  }
0xb: {  	s3 =	sld [smem:$0x3FFC];
	_ =	sdelay $0x3  }
0xc: {  	_ =	strace s3  }
0xd: {  	s3 =	sld [smem:$0x3FFD];
	_ =	sdelay $0x3  }
0xe: {  	_ =	strace s3  }
0xf: {  	_ =	strace $0x8FFFFFFF  }
0x10: {  	s20 =	sld [smem:$0x3FDB];
	_ =	sdelay $0x1  }
0x11: {  	s4 =	simm.s32 $_scs_section_size  }
0x12: {  	s5 =	simm.s32 $_size__tile_overlayer_lowered;
	s6 =	simm.s32 $_tile_overlayer_lowered  }
0x13: {  	s23 =	simm.s32 $0x1BFF;
	s22 =	sshll.u32 s6, $0x1;
	s3 =	sadd.s32 s4, s20  }
0x14: {  	s7 =	simm.s32 $0x0;
	s21 =	sshll.u32 s5, $0x1;
	s5 =	sadd.s32 s22, s3  }
0x15: {  	[timem:s7], [sflag:s23] =	dma.local [hbm:s5], s21  }
0x16: {  	_ =	swait.ge [sflag:s23], s21  }
0x17: {  	s4 =	ssub.s32 $0x0, s21;
	[sflag:s23] =	ssyncset.done $0x0  }
0x18: {  	[sflag:s23] =	ssyncadd.s32 s4;
	_ =	sdelay $0x1  }
0x19: {  	s24 =	simm.s32 $0x1B8B  }
0x1a: {  	_ =	swait.ge [sflag:s24], $0x1  }
0x1b: {  	[sflag:s24] =	ssyncset.done $0x0  }
0x1c: {  	s26 =	simm.s32 $0x1B8E;
	s25 =	sld [smem:$0x3FFE];
	[sflag:s24] =	ssyncadd.s32 $0xFFFFFFFF  }
0x1d: {  	s27 =	simm.s32 $execute0_lowered;
	[smem:$0x3FD2] =	sst s26  }
0x1e: {  	s5 =	sshll.u32 s27, $0x1;
	_ =	strace $0x80000046;
	[dreg:$0x1] =	wrdreg $0xFFFFFFFF  }
0x1f: {  	s28 =	simm.s32 $_size_execute0_lowered;
	s3 =	sadd.s32 s3, s5;
	[dreg:$0x0] =	wrdreg $0x0  }
0x20: {  	s5 =	sshll.u32 s28, $0x1;
	[dreg:$0x2] =	wrdreg s3  }
0x21: {  	[dreg:$0x3] =	wrdreg s5  }
0x22: {  	[dreg:$0x4] =	wrdreg $0xC0  }
0x23: {  	_ =	task [dreg:s7], $0x5FFFF  }
0x24: {  	[dreg:$0x1] =	wrdreg $0xFFFFFFFF  }
0x25: {  	[dreg:$0x0] =	wrdreg $0x60  }
0x26: {  	[dreg:$0x2] =	wrdreg s25  }
0x27: {  	[dreg:$0x3] =	wrdreg s2  }
0x28: {  	[dreg:$0x4] =	wrdreg $0x9  }
0x29: {  	_ =	task.clear_ibuf [dreg:s7], $0x5FFFF;
	_ =	strace $0x90000046  }
0x2a: {  	s29 =	simm.s32 $0x9;
	_ =	strace $0x80000048  }
0x2b: {  	_ =	swait.ge [sflag:s29], $0x1  }
0x2c: {  	[sflag:s29] =	ssyncadd.s32 $0xFFFFFFFF  }
0x2d: {  	_ =	strace $0x90000048  }
0x2e: {  	_ =	sfence  }
0x2f: {  	s30 =	sld [smem:$0x0];
	_ =	sdelay $0x2  }
0x30: {  	s31 =	sshll.u32 s1, $0xD;
	s1 =	sshrl.u32 s1, $0x2  }
0x31: {  	s3 =	sand.u32 $0x4000, s31;
	s1 =	sadd.s32 s1, s30  }
0x32: {  	s0 =	sor.u32 s3, s0;
	s1 =	sshll.u32 s1, $0x11  }
0x33: {  	s0 =	sor.u32 s1, s0  }
0x34: {  	s0 =	sadd.s32 $0x8F2B, s0  }
0x35: {  	[sflag:s0] =	ssyncadd.remote.s32 $0x1  }
0x36: {  	_ =	sfence.sel $0xFFFF  }
0x37: {  	[dreg:$0x0] =	wrdreg $0xFFFFFFFF;
	(pc) =	sbr.abs _section_cstart, $3  }
0x38: {  	[dreg:$0x1] =	wrdreg $0xFFFFFFFF  }
0x39: {  	_ =	task.clear_ibuf [dreg:s7], $0x2FFFF;
	_ =	strace $0x9FFFFFFF  }
0x3a: {  	(tm) =	ssettm $0x7FFFFFFF  }
0x3b: {  	_ =	shalt  }
tec
execute0_lowered:
.L_overlay_start_1:
0x0: {  	(tag) =	ssettag $0x1  }
0x1: {  	s0 =	srdreg.scid  }
0x2: {  	s1 =	sshll.u32 s0, $0x4  }
0x3: {  	s6 =	rddreg [dreg:$0x0];
	s0 =	stileid.u32;
	s1 =	sand.u32 $0x10, s1  }
0x4: {  	s3 =	rddreg [dreg:$0x1];
	s1 =	sor.u32 s0, s1  }
0x5: {  	s7 =	simm.s32 $0x1;
	s8 =	simm.s32 $0x2;
	s2 =	sshll.u32 s1, $0x7  }
0x6: {  	s10 =	simm.s32 $0x0;
	s9 =	simm.s32 $0x0;
	s5 =	ssub.s32 $0x400000, s2  }
.Ltmp0:
0x7: {  	s6 =	sadd.s32 $0x400400, s6;
	s4 =	sand.u32 $0xF80, s5;
	(pc) =	sbr.rel .LBB1_1-.Ltmp0, $4  }
0x8: {  	s1 =	rddreg [dreg:$0x2];
	_ =	strace $0x80000047;
	p0 =	sne.s32 s4, $0x0  }
0x9: {  	s5 =	sshrl.u32 s5, $0xC;
	s4 =	simm.s32 $0x1;
	s7 =	simm.s32 @!p0 $0x0  }
0xa: {  	[sflag:s4] =	ssyncpa.u1 $0x0;
	p0 =	por $0x0, $0x0;
	s5 =	sadd.s32 s7, s5  }
0xb: {  	[sflag:s8] =	ssyncpa.u1 $0x0;
	s8 =	smov.u32 s2;
	s7 =	sadd.s32 $0x1, s5  }
.LBB1_4:
0xc: {  	[tilespmem:s20+$0xFFFFFFFA ss:$0x81] =	vst.msk $0xff, v4  }
0xd: {  	v4 =	vld.msk [tilespmem:s21+$0xFFFFFFF0], $0xff;
	_ =	sdelay $0x3  }
0xe: {  	[tilespmem:s18+$0xFFFFFFFB ss:$0x81] =	vst.msk $0xff, v3  }
0xf: {  	v3 =	vld.msk [tilespmem:s19+$0xFFFFFFF8], $0xff;
	[tilespmem:s20+$0xFFFFFFFB ss:$0x81] =	vst.msk $0xff, v4  }
0x10: {  	v4 =	vld.msk [tilespmem:s21+$0xFFFFFFF8], $0xff;
	_ =	sdelay $0x3  }
0x11: {  	v5 =	vld.msk [tilespmem:s17+$0x0], $0xff;
	[tilespmem:s18+$0xFFFFFFFC ss:$0x81] =	vst.msk $0xff, v3  }
0x12: {  	v3 =	vld.msk [tilespmem:s19+$0x0], $0xff;
	[tilespmem:s20+$0xFFFFFFFC ss:$0x81] =	vst.msk $0xff, v4  }
0x13: {  	v4 =	vld.msk [tilespmem:s21+$0x0], $0xff;
	_ =	sdelay $0x2  }
0x14: {  	[tilespmem:s16+$0xFFFFFFFD ss:$0x81] =	vst.msk $0xff, v5  }
0x15: {  	v5 =	vld.msk [tilespmem:s17+$0x8], $0xff;
	[tilespmem:s18+$0xFFFFFFFD ss:$0x81] =	vst.msk $0xff, v3  }
0x16: {  	v3 =	vld.msk [tilespmem:s19+$0x8], $0xff;
	[tilespmem:s20+$0xFFFFFFFD ss:$0x81] =	vst.msk $0xff, v4  }
0x17: {  	v4 =	vld.msk [tilespmem:s21+$0x8], $0xff;
	_ =	sdelay $0x1  }
0x18: {  	[tilespmem:s14+$0xFFFFFFFE ss:$0x81] =	vst.msk $0xff, v2  }
0x19: {  	v2 =	vld.msk [tilespmem:s15+$0x10], $0xff;
	[tilespmem:s16+$0xFFFFFFFE ss:$0x81] =	vst.msk $0xff, v5  }
0x1a: {  	v5 =	vld.msk [tilespmem:s17+$0x10], $0xff;
	[tilespmem:s18+$0xFFFFFFFE ss:$0x81] =	vst.msk $0xff, v3  }
0x1b: {  	v3 =	vld.msk [tilespmem:s19+$0x10], $0xff;
	[tilespmem:s20+$0xFFFFFFFE ss:$0x81] =	vst.msk $0xff, v4  }
0x1c: {  	v4 =	vld.msk [tilespmem:s21+$0x10], $0xff  }
0x1d: {  	[tilespmem:s12+$0xFFFFFFFF ss:$0x81] =	vst.msk $0xff, v1  }
0x1e: {  	v1 =	vld.msk [tilespmem:s13+$0x18], $0xff;
	[tilespmem:s14+$0xFFFFFFFF ss:$0x81] =	vst.msk $0xff, v2  }
0x1f: {  	v2 =	vld.msk [tilespmem:s15+$0x18], $0xff;
	[tilespmem:s16+$0xFFFFFFFF ss:$0x81] =	vst.msk $0xff, v5  }
0x20: {  	v61 =	vld.msk [tilespmem:s17+$0x18], $0xff;
	[tilespmem:s18+$0xFFFFFFFF ss:$0x81] =	vst.msk $0xff, v3  }
0x21: {  	v62 =	vld.msk [tilespmem:s19+$0x18], $0xff;
	[tilespmem:s20+$0xFFFFFFFF ss:$0x81] =	vst.msk $0xff, v4  }
0x22: {  	[tilespmem:s11+$0x0 ss:$0x81] =	vst.msk $0xff, v0;
	v63 =	vld.msk [tilespmem:s21+$0x18], $0xff  }
0x23: {  	s28 =	sshll.u32 s10, $0x3;
	[tilespmem:s12+$0x0 ss:$0x81] =	vst.msk $0xff, v1  }
0x24: {  	s29 =	sand.u32 $0x78, s10;
	s11 =	sand.u32 $0x3FFC00, s28;
	[tilespmem:s14+$0x0 ss:$0x81] =	vst.msk $0xff, v2  }
0x25: {  	s30 =	sand.u32 $0x380000, s10;
	s11 =	sor.u32 s29, s11;
	[tilespmem:s16+$0x0 ss:$0x81] =	vst.msk $0xff, v61  }
0x26: {  	s11 =	sshrl.u32 s11, $0x3;
	s12 =	sadd.s32 s3, s30;
	[tilespmem:s18+$0x0 ss:$0x81] =	vst.msk $0xff, v62  }
0x27: {  	s31 =	sand.u32 $0x7, s10;
	s11 =	sadd.s32 s11, s12;
	[tilespmem:s20+$0x0 ss:$0x81] =	vst.msk $0xff, v63  }
0x28: {  	[hbm4b:s11+s31] =	stream.linear.scatter [tilespmem:s22], [sflag:$0x2], $0x400, $0x20;
	[tilespmem:$0x1010] =	vst v63  }
.LBB1_5:
0x29: {  	s12 =	sadd.s32 $0x1000, s8  }
0x2a: {  	p2 =	sgt.s32 s12, $0x3FFFFF  }
0x2b: {  	s12 =	smov.u32 @p2 s2;
	p2 =	sne.s32 s9, s7  }
.Ltmp1:
0x2c: {  	p1 =	slt.u32 s9, $0x2;
	(pc) =	sbr.rel @!p2 .LBB1_6-.Ltmp1, $4  }
0x2d: {  	s11 =	simm.s32 @!p1 $0x2  }
0x2e: {  	s13 =	sadd.s32 $0x1, s9;
	_ =	swait.ge @!p1 [sflag:s11], $0x400  }
0x2f: {  	s10 =	smov.u32 s8;
	p0 =	por !p0, !p0;
	[sflag:s11] =	ssyncset.done @!p1 $0x0  }
0x30: {  	s9 =	smov.u32 s13;
	s8 =	smov.u32 s12;
	[sflag:s11] =	ssyncadd.s32 @!p1 $0xFFFFFC00  }
.LBB1_1:
0x31: {  	p1 =	sge.u32 s9, s5  }
0x32: {  	s31 =	sadd.s32 $0xFFFFFFFF, s9;
	s11 =	sxor.u32 @!p1 $0xFFFFFFFF, s9;
	s12 =	sshll.u32 @!p1 s8, $0x4  }
0x33: {  	s13 =	simm.s32 @!p1 $0x8;
	s11 =	sshll.u32 @!p1 s11, $0xA;
	s12 =	sand.u32 @!p1 $0x3FFFFF0, s12  }
0x34: {  	s14 =	simm.s32 @!p1 $0x80;
	s11 =	sand.u32 @!p1 $0x400, s11;
	s12 =	sadd.s32 @!p1 s6, s12  }
0x35: {  	[tilespmem:s11], [sflag:$0x1] =	stream.strided.gather @!p1 [hbm4b:s12+s13], $0x400, s14, s13, $0x38;
	[tilespmem:$0x1010] =	vst v63  }
0x36: {  	p1 =	sge.u32 s31, s5  }
.Ltmp2:
0x37: {  	_ = 	snop;
	(pc) =	sbr.rel @p1 .LBB1_5-.Ltmp2, $1  }
0x38: {  	_ =	sdelay $0x3  }
0x39: {  	s11 =	simm.s32 $0x1  }
0x3a: {  	_ =	swait.ge [sflag:s4], $0x400;
	s11 =	simm.s32 @!p0 $0x0  }
0x3b: {  	[sflag:s4] =	ssyncset.done $0x0;
	s12 =	sshll.u32 s11, $0xA  }
0x3c: {  	[sflag:s4] =	ssyncadd.s32 $0xFFFFFC00;
	s20 =	sor.u32 $0x20, s12  }
0x3d: {  	v0 =	vld.msk [tilespmem:s20+$0xFFFFFFE0], $0xff  }
0x3e: {  	s11 =	smul.u32 $0x1020, s11;
	_ =	sdelay $0x1  }
0x3f: {  	s11 =	sshrl.u32 s11, $0x2  }
0x40: {  	s11 =	sor.u32 $0x807, s11  }
0x41: {  	[tilespmem:s11+$0xFFFFFFF9 ss:$0x81] =	vst.msk $0xff, v0  }
0x42: {  	v0 =	vld.msk [tilespmem:s20+$0xFFFFFFE8], $0xff  }
0x43: {  	s13 =	sadd.s32 $0x40, s20  }
0x44: {  	v1 =	vld.msk [tilespmem:s13+$0xFFFFFFE0], $0xff;
	_ =	sdelay $0x2  }
0x45: {  	[tilespmem:s11+$0xFFFFFFFA ss:$0x81] =	vst.msk $0xff, v0  }
0x46: {  	s12 =	sadd.s32 $0x8, s11;
	v0 =	vld.msk [tilespmem:s20+$0xFFFFFFF0], $0xff  }
0x47: {  	[tilespmem:s12+$0xFFFFFFF9 ss:$0x81] =	vst.msk $0xff, v1  }
0x48: {  	v1 =	vld.msk [tilespmem:s13+$0xFFFFFFE8], $0xff  }
0x49: {  	s15 =	sadd.s32 $0x40, s13  }
0x4a: {  	v2 =	vld.msk [tilespmem:s15+$0xFFFFFFE0], $0xff  }
0x4b: {  	[tilespmem:s11+$0xFFFFFFFB ss:$0x81] =	vst.msk $0xff, v0  }
0x4c: {  	v0 =	vld.msk [tilespmem:s20+$0xFFFFFFF8], $0xff  }
0x4d: {  	[tilespmem:s12+$0xFFFFFFFA ss:$0x81] =	vst.msk $0xff, v1  }
0x4e: {  	s14 =	sadd.s32 $0x8, s12;
	v1 =	vld.msk [tilespmem:s13+$0xFFFFFFF0], $0xff  }
0x4f: {  	[tilespmem:s14+$0xFFFFFFF9 ss:$0x81] =	vst.msk $0xff, v2  }
0x50: {  	s17 =	sadd.s32 $0x40, s15;
	v2 =	vld.msk [tilespmem:s15+$0xFFFFFFE8], $0xff  }
0x51: {  	[tilespmem:s11+$0xFFFFFFFC ss:$0x81] =	vst.msk $0xff, v0;
	v0 =	vld.msk [tilespmem:s17+$0xFFFFFFE0], $0xff  }
0x52: {  	v3 =	vld.msk [tilespmem:s20+$0x0], $0xff  }
0x53: {  	[tilespmem:s12+$0xFFFFFFFB ss:$0x81] =	vst.msk $0xff, v1  }
0x54: {  	v1 =	vld.msk [tilespmem:s13+$0xFFFFFFF8], $0xff  }
0x55: {  	s16 =	sadd.s32 $0x8, s14;
	[tilespmem:s14+$0xFFFFFFFA ss:$0x81] =	vst.msk $0xff, v2  }
0x56: {  	v2 =	vld.msk [tilespmem:s15+$0xFFFFFFF0], $0xff;
	[tilespmem:s16+$0xFFFFFFF9 ss:$0x81] =	vst.msk $0xff, v0  }
0x57: {  	v0 =	vld.msk [tilespmem:s17+$0xFFFFFFE8], $0xff;
	[tilespmem:s11+$0xFFFFFFFD ss:$0x81] =	vst.msk $0xff, v3  }
0x58: {  	s19 =	sadd.s32 $0x40, s17;
	v3 =	vld.msk [tilespmem:s20+$0x8], $0xff  }
0x59: {  	[tilespmem:s12+$0xFFFFFFFC ss:$0x81] =	vst.msk $0xff, v1;
	v1 =	vld.msk [tilespmem:s19+$0xFFFFFFE0], $0xff  }
0x5a: {  	v4 =	vld.msk [tilespmem:s13+$0x0], $0xff  }
0x5b: {  	[tilespmem:s14+$0xFFFFFFFB ss:$0x81] =	vst.msk $0xff, v2  }
0x5c: {  	v2 =	vld.msk [tilespmem:s15+$0xFFFFFFF8], $0xff;
	[tilespmem:s16+$0xFFFFFFFA ss:$0x81] =	vst.msk $0xff, v0  }
0x5d: {  	s18 =	sadd.s32 $0x8, s16;
	v0 =	vld.msk [tilespmem:s17+$0xFFFFFFF0], $0xff;
	[tilespmem:s11+$0xFFFFFFFE ss:$0x81] =	vst.msk $0xff, v3  }
0x5e: {  	[tilespmem:s18+$0xFFFFFFF9 ss:$0x81] =	vst.msk $0xff, v1;
	v1 =	vld.msk [tilespmem:s20+$0x10], $0xff  }
0x5f: {  	[tilespmem:s12+$0xFFFFFFFD ss:$0x81] =	vst.msk $0xff, v4;
	v3 =	vld.msk [tilespmem:s19+$0xFFFFFFE8], $0xff  }
0x60: {  	s21 =	sadd.s32 $0x40, s19;
	v4 =	vld.msk [tilespmem:s13+$0x8], $0xff  }
0x61: {  	[tilespmem:s14+$0xFFFFFFFC ss:$0x81] =	vst.msk $0xff, v2;
	v2 =	vld.msk [tilespmem:s21+$0xFFFFFFE0], $0xff  }
0x62: {  	v5 =	vld.msk [tilespmem:s15+$0x0], $0xff;
	[tilespmem:s16+$0xFFFFFFFB ss:$0x81] =	vst.msk $0xff, v0  }
0x63: {  	v6 =	vld.msk [tilespmem:s17+$0xFFFFFFF8], $0xff;
	[tilespmem:s11+$0xFFFFFFFF ss:$0x81] =	vst.msk $0xff, v1  }
0x64: {  	s22 =	sand.u32 $0x1, s9;
	[tilespmem:s18+$0xFFFFFFFA ss:$0x81] =	vst.msk $0xff, v3;
	v0 =	vld.msk [tilespmem:s20+$0x18], $0xff  }
0x65: {  	s22 =	smul.u32 $0x1020, s22;
	[tilespmem:s12+$0xFFFFFFFE ss:$0x81] =	vst.msk $0xff, v4;
	v3 =	vld.msk [tilespmem:s19+$0xFFFFFFF0], $0xff;
	s20 =	sadd.s32 $0x8, s18  }
0x66: {  	v1 =	vld.msk [tilespmem:s13+$0x10], $0xff;
	[tilespmem:s20+$0xFFFFFFF9 ss:$0x81] =	vst.msk $0xff, v2  }
0x67: {  	s22 =	sshrl.u32 s22, $0x2;
	[tilespmem:s14+$0xFFFFFFFD ss:$0x81] =	vst.msk $0xff, v5;
	v4 =	vld.msk [tilespmem:s21+$0xFFFFFFE8], $0xff  }
0x68: {  	s23 =	simm.s32 $0x28;
	s22 =	sor.u32 $0x800, s22;
	s24 =	sadd.s32 $0x40, s21;
	v2 =	vld.msk [tilespmem:s15+$0x8], $0xff;
	[tilespmem:s16+$0xFFFFFFFC ss:$0x81] =	vst.msk $0xff, v6  }
.LBB1_3:
0x69: {  	v5 =	vld.msk [tilespmem:s24+$0xFFFFFFE0], $0xff;
	[tilespmem:s11+$0x0 ss:$0x81] =	vst.msk $0xff, v0;
	s11 =	smov.u32 s12;
	s12 =	smov.u32 s14;
	s14 =	smov.u32 s16  }
0x6a: {  	s23 =	sadd.s32 $0x8, s23;
	s16 =	smov.u32 s18;
	[tilespmem:s18+$0xFFFFFFFB ss:$0x81] =	vst.msk $0xff, v3;
	v6 =	vld.msk [tilespmem:s17+$0x0], $0xff;
	s18 =	smov.u32 s20  }
0x6b: {  	p1 =	slt.u32 s23, $0x78;
	v7 =	vld.msk [tilespmem:s19+$0xFFFFFFF8], $0xff;
	[tilespmem:s11+$0xFFFFFFFF ss:$0x81] =	vst.msk $0xff, v1  }
.Ltmp3:
0x6c: {  	[tilespmem:s20+$0xFFFFFFFA ss:$0x81] =	vst.msk $0xff, v4;
	v0 =	vld.msk [tilespmem:s13+$0x18], $0xff;
	s13 =	smov.u32 s15;
	s15 =	smov.u32 s17;
	(pc) =	sbr.rel @p1 .LBB1_3-.Ltmp3, $4  }
0x6d: {  	s20 =	sadd.s32 $0x8, s20;
	s17 =	smov.u32 s19;
	s19 =	smov.u32 s21;
	v3 =	vld.msk [tilespmem:s21+$0xFFFFFFF0], $0xff;
	[tilespmem:s12+$0xFFFFFFFE ss:$0x81] =	vst.msk $0xff, v2  }
0x6e: {  	s21 =	smov.u32 s24;
	[tilespmem:s20+$0xFFFFFFF9 ss:$0x81] =	vst.msk $0xff, v5;
	v1 =	vld.msk [tilespmem:s13+$0x10], $0xff  }
0x6f: {  	v4 =	vld.msk [tilespmem:s24+$0xFFFFFFE8], $0xff;
	[tilespmem:s14+$0xFFFFFFFD ss:$0x81] =	vst.msk $0xff, v6  }
0x70: {  	s24 =	sadd.s32 $0x40, s24;
	[tilespmem:s16+$0xFFFFFFFC ss:$0x81] =	vst.msk $0xff, v7;
	v2 =	vld.msk [tilespmem:s15+$0x8], $0xff  }
.Ltmp4:
0x71: {  	_ = 	snop;
	(pc) =	sbr.rel .LBB1_4-.Ltmp4, $1  }
0x72: {  	_ =	sdelay $0x3  }
.LBB1_6:
0x73: {  	_ =	sfence.sel $0x180000  }
0x74: {  	s2 =	simm.s32 $0x1;
	[bflag:$0x0] =	sbarrier.arrive $0xFFFF  }
0x75: {  	s31 =	simm.s32 $0x2;
	[sflag:s2] =	ssyncpa.u1 $0x1  }
0x76: {  	[sflag:s31] =	ssyncpa.u1 $0x1  }
0x77: {  	p0 =	sne.s32 s0, $0x0;
	_ =	strace $0x90000047  }
0x78: {  	s0 =	sadd.s32 @!p0 $0x100000, s1;
	[bflag:$0x2] =	sbarrier.arrive $0xFFFF  }
0x79: {  	[sflag:s0] =	ssyncadd.tile.s32 @!p0 $0x1;
	_ =	shalt  }
.Lfunc_end1:
_tile_overlayer_lowered:
.L_overlay_start_2:
0x7a: {  	(tag) =	ssettag $0x2  }
0x7b: {  	s0 =	rddreg [dreg:$0x0];
	s2 =	stileid.u32  }
0x7c: {  	s1 =	rddreg [dreg:$0x1];
	p0 =	sne.s32 s2, $0x0  }
0x7d: {  	s3 =	rddreg [dreg:$0x2];
	[bflag:$0x3] =	sbarrier.arrive $0xFFFF;
	s2 =	simm.s32 @!p0 $0x1C01  }
0x7e: {  	[timem:s3], [sflag:s2] =	dma.local @!p0 [hbm:s0], s1  }
0x7f: {  	s0 =	simm.s32 @!p0 $0x1  }
0x80: {  	_ =	swait.ge @!p0 [sflag:s0], s1  }
0x81: {  	s1 =	ssub.s32 @!p0 $0x0, s1;
	[sflag:s0] =	ssyncset.done @!p0 $0x0  }
0x82: {  	[sflag:s0] =	ssyncadd.s32 @!p0 s1  }
0x83: {  	[bflag:$0x3] =	sbarrier.arrive $0xFFFF  }
0x84: {  	_ =	shalt  }

</sc_bundles>
